<compile_context>
chip_gen: v7x
topology: tpu7x:2x2x1
jax: 0.10.2.dev20260603
libtpu: 0.0.44.dev20260713+nightly
codegen_flags: <defaults>
</compile_context>

<pallas_src>
import functools

import jax
import jax.numpy as jnp
from jax import lax
from jax.experimental import pallas as pl
from jax.experimental.pallas import tpu as pltpu
from jax.experimental.pallas import tpu_sc as plsc

_SIZE = 100000
_CATS = 100
_DIM = 64
_E = 1024

_BV = 5120


@functools.partial(jax.jit, static_argnums=(2, 3))
def _sc_gather(table, idx, B, D):
    info = plsc.get_sparse_core_info()
    NW = info.num_cores * info.num_subcores
    b_per_w = B // NW
    mesh = plsc.VectorSubcoreMesh(core_axis_name="c", subcore_axis_name="s")

    @functools.partial(
        pl.kernel,
        mesh=mesh,
        out_type=jax.ShapeDtypeStruct((B, D), jnp.float32),
        scratch_types=[
            pltpu.VMEM((b_per_w,), jnp.int32),
            pltpu.VMEM((b_per_w, D), jnp.float32),
            pltpu.SemaphoreType.DMA,
        ],
        compiler_params=pltpu.CompilerParams(use_tc_tiling_on_sc=False),
    )
    def k(table_hbm, idx_hbm, out_hbm, idx_v, rows_v, sem):
        wid = lax.axis_index("s") * info.num_cores + lax.axis_index("c")
        base = wid * b_per_w
        pltpu.sync_copy(idx_hbm.at[pl.ds(base, b_per_w)], idx_v)
        pltpu.async_copy(table_hbm.at[idx_v], rows_v, sem).wait()
        pltpu.sync_copy(rows_v, out_hbm.at[pl.ds(base, b_per_w)])

    return k(table, idx)


def _head_body(phiw_ref, phic_ref, wc_ref, bct_ref, gt_ref,
               priort_ref, zt_ref, nd_ref):
    phiw = phiw_ref[...]
    wc = wc_ref[...]
    bct = bct_ref[...]
    cw = phiw * phic_ref[...]
    logits_t = lax.dot_general(
        wc, cw, (((1,), (1,)), ((), ())),
        preferred_element_type=jnp.float32) + bct
    yt = jax.nn.softmax(logits_t + gt_ref[...], axis=0)
    rows = lax.broadcasted_iota(jnp.int32, (_CATS, _E), 0)
    ymax = jnp.max(yt, axis=0, keepdims=True)
    cand = jnp.where(yt >= ymax, rows, jnp.int32(2**30))
    first = jnp.min(cand, axis=0, keepdims=True)
    zt = (rows == first).astype(jnp.float32)
    zt_ref[...] = zt
    pl_t = lax.dot_general(
        wc, phiw, (((1,), (1,)), ((), ())),
        preferred_element_type=jnp.float32) + bct
    priort_ref[...] = jax.nn.softmax(pl_t, axis=0)
    ndv = lax.dot_general(
        zt, wc, (((0,), (0,)), ((), ())),
        preferred_element_type=jnp.float32)
    nd_ref[...] = jnp.concatenate(
        [ndv, jnp.ones((_E, 1), jnp.float32)], axis=1)


def _dec_body(wdt_ref, bdr_ref, nd_ref, out_ref):
    lhs = jnp.concatenate([wdt_ref[...], bdr_ref[...]], axis=0)
    out_ref[...] = lax.dot_general(
        lhs, nd_ref[...], (((0,), (1,)), ((), ())),
        preferred_element_type=jnp.float32)


def kernel(w, c, edge_index, node_emb, W_comm, b_comm, W_dec, b_dec):
    del edge_index
    idx_all = jnp.concatenate([w, c]).astype(jnp.int32)
    phi = _sc_gather(node_emb, idx_all, 2 * _E, _DIM)
    phi_w, phi_c = phi[:_E], phi[_E:]

    gt = jax.random.gumbel(jax.random.key(42), (_E, _CATS), jnp.float32).T
    bct = b_comm.reshape(_CATS, 1)
    prior_t, z_t, nd = pl.pallas_call(
        _head_body,
        out_shape=(
            jax.ShapeDtypeStruct((_CATS, _E), jnp.float32),
            jax.ShapeDtypeStruct((_CATS, _E), jnp.float32),
            jax.ShapeDtypeStruct((_E, _DIM + 1), jnp.float32),
        ),
    )(phi_w, phi_c, W_comm, bct, gt)

    bdr = b_dec.reshape(1, _SIZE)
    nb = pl.cdiv(_SIZE, _BV)
    recon_t = pl.pallas_call(
        _dec_body,
        grid=(nb,),
        in_specs=[
            pl.BlockSpec((_DIM, _BV), lambda i: (0, i)),
            pl.BlockSpec((1, _BV), lambda i: (0, i)),
            pl.BlockSpec((_E, _DIM + 1), lambda i: (0, 0)),
        ],
        out_specs=pl.BlockSpec((_BV, _E), lambda i: (i, 0)),
        out_shape=jax.ShapeDtypeStruct((_SIZE, _E), jnp.float32),
        compiler_params=pltpu.CompilerParams(
            dimension_semantics=("parallel",)),
    )(W_dec.T, bdr, nd)

    return (prior_t.T, recon_t.T, z_t.T)

# --- scband reference (transcript-rebuilt; emitter-appended) ---
"""Pipeline reference for scband-model-13726715478325 (READ-ONLY COPY).

The authoritative reference and input builder live on the scoring server;
editing this copy changes nothing except your own understanding.
"""

import jax, jax.numpy as jnp
import numpy as np

SIZE = 100000
CATEGORIES = 100
EMBED_DIM = 64
E = 1024


def setup_inputs(seed: int = 0) -> dict:
    key = jax.random.key(seed)
    ks = jax.random.split(key, 8)
    w = jax.random.randint(ks[0], (E,), 0, SIZE)
    c = jax.random.randint(ks[1], (E,), 0, SIZE)
    edge_index = jax.random.randint(ks[2], (2, E), 0, SIZE)
    node_emb = jax.random.normal(ks[3], (SIZE, EMBED_DIM), dtype=jnp.float32)
    W_comm = jax.random.normal(ks[4], (CATEGORIES, EMBED_DIM), dtype=jnp.float32) * 0.1
    b_comm = jnp.zeros((CATEGORIES,), dtype=jnp.float32)
    W_dec = jax.random.normal(ks[5], (SIZE, EMBED_DIM), dtype=jnp.float32) * 0.1
    b_dec = jnp.zeros((SIZE,), dtype=jnp.float32)
    return {"w": w, "c": c, "edge_index": edge_index, "node_emb": node_emb,
            "W_comm": W_comm, "b_comm": b_comm, "W_dec": W_dec, "b_dec": b_dec}


def _gumbel_softmax_hard(logits, key, tau=1.0):
    # faithful to torch.nn.functional.gumbel_softmax(..., tau=1, hard=True, dim=-1)
    g = jax.random.gumbel(key, logits.shape, dtype=logits.dtype)
    y_soft = jax.nn.softmax((logits + g) / tau, axis=-1)
    idx = jnp.argmax(y_soft, axis=-1)
    y_hard = jax.nn.one_hot(idx, logits.shape[-1], dtype=logits.dtype)
    # straight-through estimator: y_hard - detach(y_soft) + y_soft
    return jax.lax.stop_gradient(y_hard - y_soft) + y_soft


def reference(w, c, edge_index, node_emb, W_comm, b_comm, W_dec, b_dec):
    # phi_w = self.node_embeddings(w); phi_c = self.node_embeddings(c)
    phi_w = jnp.take(node_emb, w, axis=0)
    phi_c = jnp.take(node_emb, c, axis=0)
    # community_embed = self.community_embedding(phi_w * phi_c)
    community_embed = (phi_w * phi_c) @ W_comm.T + b_comm
    z = _gumbel_softmax_hard(community_embed, jax.random.key(42), tau=1.0)
    # prior = softmax(self.community_embedding(phi_w))
    prior = jax.nn.softmax(phi_w @ W_comm.T + b_comm, axis=-1)
    # node_dist = z @ community_embedding.weight  ([E, cat] @ [cat, dim])
    node_dist = z @ W_comm
    # recon_c = self.decode(node_dist)
    recon_c = node_dist @ W_dec.T + b_dec
    return (prior, recon_c, z)

if __name__ == "__main__":
    import jax
    _d = setup_inputs()
    print(jax.jit(kernel)(*tuple(_d.values())))

</pallas_src>

<mosaic_0001>
#map = affine_map<(d0, d1) -> (0, 0)>
#map1 = affine_map<(d0, d1) -> (0)>
module attributes {stable_mosaic.version = 14 : i64} {
  func.func @k(%arg0: i32, %arg1: i32, %arg2: memref<100000x64xf32, #tpu.memory_space<hbm>>, %arg3: memref<2048xi32, #tpu.memory_space<hbm>>, %arg4: memref<2048x64xf32, #tpu.memory_space<hbm>>, %arg5: memref<64xi32, #tpu.memory_space<vmem>>, %arg6: memref<64x64xf32, #tpu.memory_space<vmem>>, %arg7: memref<!tpu.dma_semaphore, #tpu.memory_space<semaphore_mem>>) attributes {dimension_semantics = [#tpu.dimension_semantics<core_parallel>, #tpu.dimension_semantics<subcore_parallel>], iteration_bounds = array<i64: 2, 16>, scalar_prefetch = 0 : i64, scratch_operands = 3 : i64, tpu.core_type = #tpu.core_type<sc_vector_subcore>, window_params = [{transform_indices = #map}, {transform_indices = #map1}, {transform_indices = #map}]} {
    %mul3A = arith.constant 2 : i32
    %mul3A_0 = arith.muli %arg1, %mul3A : i32
    %add3A = arith.addi %mul3A_0, %arg0 : i32
    %mul3A_1 = arith.constant 64 : i32
    %mul3A_2 = arith.muli %add3A, %mul3A_1 : i32
    "tpu.region"() ({
      %run_scoped3A = tpu.sem_alloc : memref<!tpu.dma_semaphore, #tpu.memory_space<semaphore_mem>>
      %dma_start3A_7 = tpu.memref_slice %arg3[%mul3A_2] : memref<2048xi32, #tpu.memory_space<hbm>> -> memref<64xi32, #tpu.memory_space<hbm>>
      %dma_start3A_8 = tpu.memref_slice %arg3[%mul3A_2] : memref<2048xi32, #tpu.memory_space<hbm>> -> memref<64xi32, #tpu.memory_space<hbm>>
      tpu.enqueue_dma source(%dma_start3A_8 : memref<64xi32, #tpu.memory_space<hbm>>) target(%arg5 : memref<64xi32, #tpu.memory_space<vmem>>) target_semaphore(%run_scoped3A : memref<!tpu.dma_semaphore, #tpu.memory_space<semaphore_mem>>)
      %dma_wait3A_9 = tpu.memref_slice %arg3[%mul3A_2] : memref<2048xi32, #tpu.memory_space<hbm>> -> memref<64xi32, #tpu.memory_space<hbm>>
      %dma_wait3A_10 = tpu.memref_slice %arg3[%mul3A_2] : memref<2048xi32, #tpu.memory_space<hbm>> -> memref<64xi32, #tpu.memory_space<hbm>>
      tpu.wait_dma2 semaphore(%run_scoped3A : memref<!tpu.dma_semaphore, #tpu.memory_space<semaphore_mem>>) src(%dma_wait3A_10 : memref<64xi32, #tpu.memory_space<hbm>>) dst(%arg5 : memref<64xi32, #tpu.memory_space<vmem>>)
      tpu.yield
    }) : () -> ()
    %dma_start3A = arith.constant 0 : i32
    %dma_start3A_3 = arith.constant 0 : i32
    %dma_start3A_4 = tpu.memref_slice %arg2[%dma_start3A, %dma_start3A_3] : memref<100000x64xf32, #tpu.memory_space<hbm>> -> memref<100000x64xf32, #tpu.memory_space<hbm>>
    tpu.enqueue_indirect_dma source(%dma_start3A_4 : memref<100000x64xf32, #tpu.memory_space<hbm>>) target(%arg6 : memref<64x64xf32, #tpu.memory_space<vmem>>) offsets(%arg5 : memref<64xi32, #tpu.memory_space<vmem>>) semaphore(%arg7 : memref<!tpu.dma_semaphore, #tpu.memory_space<semaphore_mem>>)
    %dma_wait3A = arith.constant 0 : i32
    %dma_wait3A_5 = arith.constant 0 : i32
    %dma_wait3A_6 = tpu.memref_slice %arg2[%dma_wait3A, %dma_wait3A_5] : memref<100000x64xf32, #tpu.memory_space<hbm>> -> memref<100000x64xf32, #tpu.memory_space<hbm>>
    tpu.wait_indirect_dma semaphore(%arg7 : memref<!tpu.dma_semaphore, #tpu.memory_space<semaphore_mem>>) src(%dma_wait3A_6 : memref<100000x64xf32, #tpu.memory_space<hbm>>) dst(%arg6 : memref<64x64xf32, #tpu.memory_space<vmem>>)
    "tpu.region"() ({
      %run_scoped3A = tpu.sem_alloc : memref<!tpu.dma_semaphore, #tpu.memory_space<semaphore_mem>>
      %dma_start3A_7 = arith.constant 0 : i32
      %dma_start3A_8 = tpu.memref_slice %arg4[%mul3A_2, %dma_start3A_7] : memref<2048x64xf32, #tpu.memory_space<hbm>> -> memref<64x64xf32, #tpu.memory_space<hbm>>
      %dma_start3A_9 = arith.constant 0 : i32
      %dma_start3A_10 = tpu.memref_slice %arg4[%mul3A_2, %dma_start3A_9] : memref<2048x64xf32, #tpu.memory_space<hbm>> -> memref<64x64xf32, #tpu.memory_space<hbm>>
      tpu.enqueue_dma source(%arg6 : memref<64x64xf32, #tpu.memory_space<vmem>>) target(%dma_start3A_10 : memref<64x64xf32, #tpu.memory_space<hbm>>) target_semaphore(%run_scoped3A : memref<!tpu.dma_semaphore, #tpu.memory_space<semaphore_mem>>)
      %dma_wait3A_11 = arith.constant 0 : i32
      %dma_wait3A_12 = tpu.memref_slice %arg4[%mul3A_2, %dma_wait3A_11] : memref<2048x64xf32, #tpu.memory_space<hbm>> -> memref<64x64xf32, #tpu.memory_space<hbm>>
      %dma_wait3A_13 = arith.constant 0 : i32
      %dma_wait3A_14 = tpu.memref_slice %arg4[%mul3A_2, %dma_wait3A_13] : memref<2048x64xf32, #tpu.memory_space<hbm>> -> memref<64x64xf32, #tpu.memory_space<hbm>>
      tpu.wait_dma2 semaphore(%run_scoped3A : memref<!tpu.dma_semaphore, #tpu.memory_space<semaphore_mem>>) src(%arg6 : memref<64x64xf32, #tpu.memory_space<vmem>>) dst(%dma_wait3A_14 : memref<64x64xf32, #tpu.memory_space<hbm>>)
      tpu.yield
    }) : () -> ()
    return
  }
}

</mosaic_0001>

<sc_bundles>
// kernel: _sc_gather.3.cloned.1.call-start
scs
__scs_entry_jumppad:
0x0: {  	(pc) =	sbr.rel $0x88, $3  }
0x1: {  	(tag) =	ssettag $0x0;
	lr =	simm.s32 $0x1  }
0x2: {  	[smem:$0x3F9F] =	sst lr;
	_ =	strace $0xD0000000  }
0x3: {  	_ = 	snop  }
0x4: {  	_ = 	snop  }
0x5: {  	_ = 	snop  }
0x6: {  	_ = 	snop  }
0x7: {  	_ = 	snop  }
__scs_overlays_trampoline_lowered:
0x8: {  	[smem:$0x3FAE] =	sst s0  }
0x9: {  	[smem:$0x3FAF] =	sst s1  }
0xa: {  	[smem:$0x3FB0] =	sst s2  }
0xb: {  	[smem:$0x3FB1] =	sst s3  }
0xc: {  	[smem:$0x3FB2] =	sst s4  }
0xd: {  	[smem:$0x3FB3] =	sst s5  }
0xe: {  	[smem:$0x3FB4] =	sst s6  }
0xf: {  	[smem:$0x3FB5] =	sst s7  }
0x10: {  	[smem:$0x3FB6] =	sst s8  }
0x11: {  	[smem:$0x3FB7] =	sst s9;
	s0 =	simm.s32 @!p0 $0x0  }
0x12: {  	s1 =	sld [smem:$0x3F9D];
	s0 =	simm.s32 @p0 $0x1  }
0x13: {  	[smem:$0x3FB8] =	sst s0;
	s0 =	simm.s32 @!p1 $0x0  }
0x14: {  	s2 =	sld [smem:$0x3F9C];
	s0 =	simm.s32 @p1 $0x1  }
0x15: {  	[smem:$0x3FB9] =	sst s0;
	s0 =	simm.s32 @!p2 $0x0  }
0x16: {  	s3 =	sld [smem:$0x3FDB];
	s0 =	simm.s32 @p2 $0x1  }
0x17: {  	s4 =	simm.s32 $0x1BF5;
	[smem:$0x3FBB] =	sst s0  }
0x18: {  	s0 =	sld [smem:$0x3F9E];
	_ =	swait.ge [sflag:s4], $0x0  }
0x19: {  	s7 =	sld [smem:$0x3F9F]  }
0x1a: {  	s8 =	sadd.s32 $0xFFFFE003, lr  }
0x1b: {  	s9 =	sadd.s32 $0xFFFFFEF7, lr;
	s5 =	simm.s32 $0xFFFFFFFF;
	p2 =	slt.u32 s8, $0xFFFFF086  }
0x1c: {  	p1 =	slt.u32 s9, $0xF7A;
	s5 =	simm.s32 @!p2 $0x0  }
0x1d: {  	s5 =	simm.s32 @p1 $0x1;
	p0 =	seq.s32 s7, s2  }
0x1e: {  	s7 =	smul.u32 @!p0 $0xF7A, s2;
	p2 =	seq.s32 @!p0 s5, $0x0  }
0x1f: {  	s9 =	smul.u32 $0xF7A, s1;
	s8 =	simm.s32 @!p0 $0x1BF5;
	p2 =	por !p2, p0  }
0x20: {  	[sflag:s8] =	ssyncset.s32 @!p0 $0xFFFFF086;
	s6 =	sadd.s32 @!p0 s3, s7;
	s7 =	simm.s32 @!p0 $0x108  }
0x21: {  	s3 =	sadd.s32 s3, s9;
	s6 =	sadd.s32 @!p0 $0x88, s6;
	s7 =	simm.s32 @p2 $0x1082  }
0x22: {  	[simem:s7], [sflag:s8] =	dma.local @!p0 [hbm:s6], $0xF7A  }
0x23: {  	s9 =	sor.u32 $0xD0000000, s2;
	s6 =	simm.s32 $0x108;
	_ =	swait.ge @!p0 [sflag:s8], $0x0  }
0x24: {  	s3 =	sadd.s32 $0x88, s3;
	s6 =	simm.s32 @!p1 $0x1082;
	[sflag:s4] =	ssyncset.s32 $0xFFFFF086  }
0x25: {  	[simem:s6], [sflag:s4] =	dma.local [hbm:s3], $0xF7A  }
0x26: {  	[smem:$0x3F9F] =	sst s1;
	(tag) =	ssettag s2;
	_ =	strace s9  }
0x27: {  	s1 =	sld [smem:$0x3FAF]  }
0x28: {  	s2 =	sld [smem:$0x3FB0]  }
0x29: {  	s4 =	sld [smem:$0x3FB2]  }
0x2a: {  	p0 =	seq.s32 s5, $0x0;
	s5 =	sld [smem:$0x3FB3]  }
0x2b: {  	s6 =	sld [smem:$0x3FB4]  }
0x2c: {  	s7 =	sld [smem:$0x3FB5]  }
0x2d: {  	s3 =	simm.s32 $0x108;
	s8 =	sld [smem:$0x3FB6]  }
0x2e: {  	s3 =	simm.s32 @!p0 $0x1082;
	s9 =	sld [smem:$0x3FB7]  }
0x2f: {  	lr =	sadd.s32 s0, s3;
	s0 =	sld [smem:$0x3FAE]  }
0x30: {  	s3 =	sld [smem:$0x3FB1]  }
0x31: {  	[smem:$0x3FBA] =	sst s10  }
0x32: {  	s10 =	sld [smem:$0x3FB8];
	_ =	sdelay $0x3  }
0x33: {  	p0 =	seq.s32 s10, $0x1;
	s10 =	sld [smem:$0x3FBA];
	_ =	sdelay $0x3  }
0x34: {  	[smem:$0x3FBA] =	sst s10  }
0x35: {  	s10 =	sld [smem:$0x3FB9];
	_ =	sdelay $0x3  }
0x36: {  	p1 =	seq.s32 s10, $0x1;
	s10 =	sld [smem:$0x3FBA];
	_ =	sdelay $0x3  }
0x37: {  	[smem:$0x3FBA] =	sst s10  }
0x38: {  	s10 =	sld [smem:$0x3FBB]  }
0x39: {  	_ = 	snop;
	(pc) =	sbr.ind lr, $3  }
0x3a: {  	_ = 	snop  }
0x3b: {  	_ = 	snop  }
0x3c: {  	p2 =	seq.s32 s10, $0x1;
	s10 =	sld [smem:$0x3FBA]  }
0x3d: {  	_ =	shalt  }
0x3e: {  	_ =	shalt  }
0x3f: {  	_ =	shalt  }
0x40: {  	_ =	shalt  }
0x41: {  	_ =	shalt  }
0x42: {  	_ =	shalt  }
0x43: {  	_ =	shalt  }
0x44: {  	_ =	shalt  }
0x45: {  	_ =	shalt  }
0x46: {  	_ =	shalt  }
0x47: {  	_ =	shalt  }
0x48: {  	_ =	shalt  }
0x49: {  	_ =	shalt  }
0x4a: {  	_ =	shalt  }
0x4b: {  	_ =	shalt  }
0x4c: {  	_ =	shalt  }
0x4d: {  	_ =	shalt  }
0x4e: {  	_ =	shalt  }
0x4f: {  	_ =	shalt  }
0x50: {  	_ =	shalt  }
0x51: {  	_ =	shalt  }
0x52: {  	_ =	shalt  }
0x53: {  	_ =	shalt  }
0x54: {  	_ =	shalt  }
0x55: {  	_ =	shalt  }
0x56: {  	_ =	shalt  }
0x57: {  	_ =	shalt  }
0x58: {  	_ =	shalt  }
0x59: {  	_ =	shalt  }
0x5a: {  	_ =	shalt  }
0x5b: {  	_ =	shalt  }
0x5c: {  	_ =	shalt  }
0x5d: {  	_ =	shalt  }
0x5e: {  	_ =	shalt  }
0x5f: {  	_ =	shalt  }
0x60: {  	_ =	shalt  }
0x61: {  	_ =	shalt  }
0x62: {  	_ =	shalt  }
0x63: {  	_ =	shalt  }
0x64: {  	_ =	shalt  }
0x65: {  	_ =	shalt  }
0x66: {  	_ =	shalt  }
0x67: {  	_ =	shalt  }
0x68: {  	_ =	shalt  }
0x69: {  	_ =	shalt  }
0x6a: {  	_ =	shalt  }
0x6b: {  	_ =	shalt  }
0x6c: {  	_ =	shalt  }
0x6d: {  	_ =	shalt  }
0x6e: {  	_ =	shalt  }
0x6f: {  	_ =	shalt  }
0x70: {  	_ =	shalt  }
0x71: {  	_ =	shalt  }
0x72: {  	_ =	shalt  }
0x73: {  	_ =	shalt  }
0x74: {  	_ =	shalt  }
0x75: {  	_ =	shalt  }
0x76: {  	_ =	shalt  }
0x77: {  	_ =	shalt  }
0x78: {  	_ =	shalt  }
0x79: {  	_ =	shalt  }
0x7a: {  	_ =	shalt  }
0x7b: {  	_ =	shalt  }
0x7c: {  	_ =	shalt  }
0x7d: {  	_ =	shalt  }
0x7e: {  	_ =	shalt  }
0x7f: {  	_ =	shalt  }
0x80: {  	_ =	shalt  }
0x81: {  	_ =	shalt  }
0x82: {  	_ =	shalt  }
0x83: {  	_ =	shalt  }
0x84: {  	_ =	shalt  }
0x85: {  	_ =	shalt  }
0x86: {  	_ =	shalt  }
0x87: {  	_ =	shalt  }
.Lfunc_end0:
.L_simem_size_0:
called_computation_lowered:
.L_overlay_start_0:
0x88: {  	s2 =	sld [smem:$0x3FD9]  }
0x89: {  	s3 =	sld [smem:$0x3FFE];
	_ =	sdelay $0x1  }
0x8a: {  	s1 =	srdreg.scid  }
0x8b: {  	s0 =	sand.u32 $0x1, s1  }
0x8c: {  	s17 =	sshll.u32 s0, $0xA;
	s2 =	sadd.s32 s3, s2  }
0x8d: {  	s2 =	sadd.s32 s2, s17  }
0x8e: {  	[smem:$0x3FC6] =	sst s2  }
0x8f: {  	_ = 	snop  }
0x90: {  	s2 =	sld [smem:$0x3FC8]  }
0x91: {  	s18 =	sld [smem:$0x3FD0];
	(tm) =	ssettm $0x1  }
0x92: {  	s4 =	sld [smem:$0x3FFB];
	_ =	sdelay $0x3  }
0x93: {  	_ =	strace s4  }
0x94: {  	s4 =	sld [smem:$0x3FFC];
	_ =	sdelay $0x3  }
0x95: {  	_ =	strace s4  }
0x96: {  	s4 =	sld [smem:$0x3FFD];
	_ =	sdelay $0x3  }
0x97: {  	_ =	strace s4  }
0x98: {  	_ =	strace $0x8FFFFFFF  }
0x99: {  	s19 =	sld [smem:$0x3FDB];
	_ =	sdelay $0x1  }
0x9a: {  	s5 =	simm.s32 $_scs_section_size  }
0x9b: {  	s6 =	simm.s32 $_size__tile_overlayer_lowered;
	s7 =	simm.s32 $_tile_overlayer_lowered  }
0x9c: {  	s22 =	simm.s32 $0x1BFF;
	s21 =	sshll.u32 s7, $0x1;
	s4 =	sadd.s32 s5, s19  }
0x9d: {  	s8 =	simm.s32 $0x0;
	s20 =	sshll.u32 s6, $0x1;
	s6 =	sadd.s32 s21, s4  }
0x9e: {  	[timem:s8], [sflag:s22] =	dma.local [hbm:s6], s20  }
0x9f: {  	_ =	swait.ge [sflag:s22], s20  }
0xa0: {  	s5 =	ssub.s32 $0x0, s20;
	[sflag:s22] =	ssyncset.done $0x0  }
0xa1: {  	[sflag:s22] =	ssyncadd.s32 s5;
	_ =	sdelay $0x1  }
0xa2: {  	s23 =	simm.s32 $0x1B8B  }
0xa3: {  	_ =	swait.ge [sflag:s23], $0x1  }
0xa4: {  	[sflag:s23] =	ssyncset.done $0x0  }
0xa5: {  	s25 =	simm.s32 $0x1B8E;
	s24 =	sld [smem:$0x3FFE];
	[sflag:s23] =	ssyncadd.s32 $0xFFFFFFFF  }
0xa6: {  	s26 =	simm.s32 $execute0_lowered;
	[smem:$0x3FD2] =	sst s25  }
0xa7: {  	s6 =	sshll.u32 s26, $0x1;
	_ =	strace $0x80000046;
	[dreg:$0x1] =	wrdreg $0xFFFFFFFF  }
0xa8: {  	s28 =	simm.s32 $_size_execute0_lowered;
	s4 =	sadd.s32 s4, s6;
	[dreg:$0x0] =	wrdreg $0x0  }
0xa9: {  	s6 =	sshll.u32 s28, $0x1;
	[dreg:$0x2] =	wrdreg s4  }
0xaa: {  	[dreg:$0x3] =	wrdreg s6  }
0xab: {  	[dreg:$0x4] =	wrdreg $0xC0  }
0xac: {  	_ =	task [dreg:s8], $0x5FFFF  }
0xad: {  	[dreg:$0x1] =	wrdreg $0xFFFFFFFF  }
0xae: {  	[dreg:$0x0] =	wrdreg $0x60  }
0xaf: {  	[dreg:$0x2] =	wrdreg s24  }
0xb0: {  	[dreg:$0x3] =	wrdreg s2  }
0xb1: {  	[dreg:$0x4] =	wrdreg s18  }
0xb2: {  	[dreg:$0x5] =	wrdreg $0x9  }
0xb3: {  	_ =	task.clear_ibuf [dreg:s8], $0x6FFFF;
	_ =	strace $0x90000046  }
0xb4: {  	s29 =	simm.s32 $0x9;
	_ =	strace $0x80000048  }
0xb5: {  	_ =	swait.ge [sflag:s29], $0x1  }
0xb6: {  	[sflag:s29] =	ssyncadd.s32 $0xFFFFFFFF  }
0xb7: {  	_ =	strace $0x90000048  }
0xb8: {  	_ =	sfence  }
0xb9: {  	s30 =	sld [smem:$0x0];
	_ =	sdelay $0x2  }
0xba: {  	s31 =	sshll.u32 s1, $0xD;
	s1 =	sshrl.u32 s1, $0x2  }
0xbb: {  	s3 =	sand.u32 $0x4000, s31;
	s1 =	sadd.s32 s1, s30  }
0xbc: {  	s0 =	sor.u32 s3, s0;
	s1 =	sshll.u32 s1, $0x11  }
0xbd: {  	s0 =	sor.u32 s1, s0  }
0xbe: {  	s0 =	sadd.s32 $0x8F2B, s0  }
0xbf: {  	[sflag:s0] =	ssyncadd.remote.s32 $0x1  }
0xc0: {  	_ =	sfence.sel $0xFFFF  }
0xc1: {  	[dreg:$0x0] =	wrdreg $0xFFFFFFFF;
	(pc) =	sbr.abs _section_cstart, $3  }
0xc2: {  	[dreg:$0x1] =	wrdreg $0xFFFFFFFF  }
0xc3: {  	_ =	task.clear_ibuf [dreg:s8], $0x2FFFF;
	_ =	strace $0x9FFFFFFF  }
0xc4: {  	(tm) =	ssettm $0x7FFFFFFF  }
0xc5: {  	_ =	shalt  }
tec
execute0_lowered:
.L_overlay_start_1:
0x0: {  	(tag) =	ssettag $0x1  }
0x1: {  	s5 =	rddreg [dreg:$0x0]  }
0x2: {  	s1 =	srdreg.scid;
	s3 =	rddreg [dreg:$0x1]  }
0x3: {  	s0 =	stileid.u32;
	s8 =	rddreg [dreg:$0x2];
	s6 =	sand.u32 $0x1, s1  }
0x4: {  	s2 =	simm.s32 $0x0;
	s4 =	sshll.u32 s0, $0x7;
	s7 =	sshll.u32 s6, $0x6  }
0x5: {  	[smem:$0x7FF] =	sst s2;
	s9 =	sor.u32 s7, s4  }
0x6: {  	s1 =	rddreg [dreg:$0x3];
	_ =	strace $0x80000047;
	s4 =	sshrl.u32 s9, $0x3  }
0x7: {  	s10 =	ssub.s32 $0x2, s6;
	s4 =	sadd.s32 s3, s4;
	s3 =	simm.s32 $0x2  }
0x8: {  	[tilespmem:s2], [sflag:$0x2] =	stream.linear.gather [hbm4b:s4+s2], $0x40, $0x38;
	[tilespmem:$0x1040] =	vst v63  }
0x9: {  	s5 =	sadd.s32 $0x186E00, s5;
	s11 =	sshrl.u32 s10, $0x1;
	_ =	swait.ge [sflag:s3], $0x40  }
0xa: {  	s6 =	simm.s32 $0x40;
	s10 =	ssub.s32 s10, s11;
	[sflag:s3] =	ssyncset.done $0x0  }
0xb: {  	s7 =	simm.s32 $0x1;
	s31 =	smax.u32 s10, $0x1;
	[sflag:s3] =	ssyncadd.s32 $0xFFFFFFC0  }
0xc: {  	[tilespmem:s6], [sflag:$0x1] =	stream.indirect.gather [hbm4b:s5+s6], $0x40, s2, s6, $0xb8;
	[tilespmem:$0x1040] =	vst v63  }
0xd: {  	p0 =	sne.s32 s31, $0x1;
	_ =	swait.ge [sflag:s7], $0x1000  }
.Ltmp0:
0xe: {  	s9 =	sshll.u32 s9, $0x3;
	[sflag:s7] =	ssyncset.done $0x0;
	(pc) =	sbr.rel @!p0 .LBB2_2-.Ltmp0, $4  }
0xf: {  	s8 =	sadd.s32 s8, s9;
	[sflag:s7] =	ssyncadd.s32 $0xFFFFF000  }
0x10: {  	[hbm4b:s8+s2] =	stream.linear.scatter [tilespmem:s6], [sflag:$0x2], $0x1000, $0x38;
	[tilespmem:$0x1040] =	vst v63  }
0x11: {  	_ =	swait.ge [sflag:s3], $0x1000  }
0x12: {  	s9 =	sadd.s32 $0xFFFFFFFF, s31;
	[sflag:s3] =	ssyncset.done $0x0  }
.LBB2_1:
0x13: {  	p0 =	sne.s32 s9, $0x1;
	s9 =	sadd.s32 $0xFFFFFFFF, s9;
	[sflag:s3] =	ssyncadd.s32 $0xFFFFF000  }
0x14: {  	[tilespmem:s2], [sflag:$0x2] =	stream.linear.gather [hbm4b:s4+s2], $0x40, $0x38;
	[tilespmem:$0x1040] =	vst v63  }
0x15: {  	_ =	swait.ge [sflag:s3], $0x40  }
0x16: {  	[sflag:s3] =	ssyncset.done $0x0  }
0x17: {  	[sflag:s3] =	ssyncadd.s32 $0xFFFFFFC0  }
0x18: {  	[tilespmem:s6], [sflag:$0x1] =	stream.indirect.gather [hbm4b:s5+s6], $0x40, s2, s6, $0xb8;
	[tilespmem:$0x1040] =	vst v63  }
0x19: {  	_ =	swait.ge [sflag:s7], $0x1000  }
.Ltmp1:
0x1a: {  	[sflag:s7] =	ssyncset.done $0x0;
	(pc) =	sbr.rel @p0 .LBB2_1-.Ltmp1, $4  }
0x1b: {  	[sflag:s7] =	ssyncadd.s32 $0xFFFFF000  }
0x1c: {  	[hbm4b:s8+s2] =	stream.linear.scatter [tilespmem:s6], [sflag:$0x2], $0x1000, $0x38;
	[tilespmem:$0x1040] =	vst v63  }
0x1d: {  	_ =	swait.ge [sflag:s3], $0x1000  }
0x1e: {  	[sflag:s3] =	ssyncset.done $0x0  }
.LBB2_2:
0x1f: {  	[sflag:s3] =	ssyncadd.s32 $0xFFFFF000  }
0x20: {  	_ =	sfence.sel $0x180000  }
0x21: {  	[bflag:$0x0] =	sbarrier.arrive $0xFFFF  }
0x22: {  	p0 =	sne.s32 s0, $0x0;
	_ =	strace $0x90000047  }
0x23: {  	s0 =	sadd.s32 @!p0 $0x100000, s1;
	[bflag:$0x2] =	sbarrier.arrive $0xFFFF  }
0x24: {  	[sflag:s0] =	ssyncadd.tile.s32 @!p0 $0x1;
	_ =	shalt  }
.Lfunc_end2:
_tile_overlayer_lowered:
.L_overlay_start_2:
0x25: {  	(tag) =	ssettag $0x2  }
0x26: {  	s0 =	rddreg [dreg:$0x0];
	s2 =	stileid.u32  }
0x27: {  	s1 =	rddreg [dreg:$0x1];
	p0 =	sne.s32 s2, $0x0  }
0x28: {  	s3 =	rddreg [dreg:$0x2];
	[bflag:$0x3] =	sbarrier.arrive $0xFFFF;
	s2 =	simm.s32 @!p0 $0x1C02  }
0x29: {  	[timem:s3], [sflag:s2] =	dma.local @!p0 [hbm:s0], s1  }
0x2a: {  	s0 =	simm.s32 @!p0 $0x2  }
0x2b: {  	_ =	swait.ge @!p0 [sflag:s0], s1  }
0x2c: {  	s1 =	ssub.s32 @!p0 $0x0, s1;
	[sflag:s0] =	ssyncset.done @!p0 $0x0  }
0x2d: {  	[sflag:s0] =	ssyncadd.s32 @!p0 s1  }
0x2e: {  	[bflag:$0x3] =	sbarrier.arrive $0xFFFF  }
0x2f: {  	_ =	shalt  }

</sc_bundles>
